<compile_context>
chip_gen: v7x
topology: tpu7x:2x2x1
jax: 0.10.2.dev20260603
libtpu: 0.0.44.dev20260713+nightly
codegen_flags: <defaults>
</compile_context>

<pallas_src>
import functools

import jax
import jax.numpy as jnp
from jax import lax
from jax.experimental import pallas as pl
from jax.experimental.pallas import tpu as pltpu
from jax.experimental.pallas import tpu_sc as plsc

NW = 32
LANES = 16
WIN = 16384


def _body(npw, win, posx_hbm, posy_hbm, fnp_hbm, starts_hbm, w_hbm, out_hbm,
          starts_v, w_v, idx_v, xwin, ywin, accv, q0_ref, sem):
    groups = npw // LANES
    wid = lax.axis_index("c") * 16 + lax.axis_index("s")
    n0 = pl.multiple_of(wid * npw, npw)
    pltpu.sync_copy(starts_hbm.at[pl.ds(n0, npw + LANES)], starts_v)
    pltpu.sync_copy(w_hbm.at[pl.ds(n0, npw)], w_v)
    q0_ref[0] = jnp.int32(-win)

    iota = lax.iota(jnp.int32, LANES)
    big = jnp.int32(0x7FFFFFF0)

    def group(g, acc):
        base = g * LANES
        sv = plsc.load_gather(starts_v, [base + iota])
        ev = plsc.load_gather(starts_v, [base + 1 + iota])
        wv = plsc.load_gather(w_v, [base + iota])
        ln = ev - sv

        inf = jnp.full((LANES,), jnp.inf, jnp.float32)
        steps = jnp.max(ln)
        pend = jnp.max(ev)

        def fast(_):
            base_off = sv - q0_ref[0]

            def fbody(k, st):
                mnx, mxx, mny, mxy = st
                m2 = k < ln
                off = base_off + k
                vx = plsc.load_gather(xwin, [off], mask=m2)
                vy = plsc.load_gather(ywin, [off], mask=m2)
                mnx = jnp.minimum(mnx, jnp.where(m2, vx, inf))
                mxx = jnp.maximum(mxx, jnp.where(m2, vx, -inf))
                mny = jnp.minimum(mny, jnp.where(m2, vy, inf))
                mxy = jnp.maximum(mxy, jnp.where(m2, vy, -inf))
                return (mnx, mxx, mny, mxy)

            return lax.fori_loop(0, steps, fbody, (inf, -inf, inf, -inf))

        def slow(_):
            def wcond(st):
                t = st[0]
                return jnp.any(t < ln)

            def wbody(st):
                t, mnx, mxx, mny, mxy = st
                act = t < ln
                pin = sv + t
                q0 = q0_ref[0]
                m = act & (pin < q0 + win)

                def do_reload():
                    nm = jnp.min(jnp.where(act, pin, big))
                    q0n = pl.multiple_of(nm & jnp.int32(~127), 128)
                    pltpu.sync_copy(fnp_hbm.at[pl.ds(q0n, win)], idx_v)
                    cx = pltpu.async_copy(posx_hbm.at[idx_v], xwin, sem)
                    cy = pltpu.async_copy(posy_hbm.at[idx_v], ywin, sem)
                    cx.wait()
                    cy.wait()
                    q0_ref[0] = q0n

                pl.when(jnp.logical_not(jnp.any(m)))(do_reload)

                q0b = q0_ref[0]
                off = pin - q0b
                m2 = act & (off < win)
                vx = plsc.load_gather(xwin, [off], mask=m2)
                vy = plsc.load_gather(ywin, [off], mask=m2)
                mnx = jnp.where(m2, jnp.minimum(mnx, vx), mnx)
                mxx = jnp.where(m2, jnp.maximum(mxx, vx), mxx)
                mny = jnp.where(m2, jnp.minimum(mny, vy), mny)
                mxy = jnp.where(m2, jnp.maximum(mxy, vy), mxy)
                t = t + m2.astype(jnp.int32)
                return (t, mnx, mxx, mny, mxy)

            init = (jnp.zeros((LANES,), jnp.int32), inf, -inf, inf, -inf)
            st = lax.while_loop(wcond, wbody, init)
            return st[1:]

        in_win = pend <= q0_ref[0] + win
        mnx, mxx, mny, mxy = lax.cond(in_win, fast, slow, 0)
        span = (mxx - mnx) + (mxy - mny)
        contrib = jnp.where(ln > 0, wv * span, jnp.zeros((LANES,), jnp.float32))
        return acc + contrib

    acc = lax.fori_loop(0, groups, group, jnp.zeros((LANES,), jnp.float32))
    accv[...] = acc
    pltpu.sync_copy(accv, out_hbm.at[wid])


def kernel(pos, flat_netpin, netpin_start, net_weights, net_mask):
    num_pins = flat_netpin.shape[0]
    num_nets = net_weights.shape[0]
    npw = -(-(-(-num_nets // NW)) // LANES) * LANES
    tot = NW * npw

    posx = pos[:num_pins]
    posy = pos[num_pins:]
    weff = jnp.where(net_mask, net_weights, jnp.float32(0.0))
    weff_pad = jnp.concatenate(
        [weff, jnp.zeros((tot - num_nets,), jnp.float32)])
    starts_pad = jnp.concatenate([
        netpin_start.astype(jnp.int32),
        jnp.full((tot + LANES - num_nets - 1,), num_pins, jnp.int32),
    ])
    fp = -((num_pins + WIN) // -128) * 128
    fnp_pad = jnp.concatenate(
        [flat_netpin, jnp.zeros((fp - num_pins,), jnp.int32)])

    mesh = plsc.VectorSubcoreMesh(
        core_axis_name="c", subcore_axis_name="s", num_cores=2,
        num_subcores=16)
    grid_kernel = pl.kernel(
        functools.partial(_body, npw, WIN),
        out_type=jax.ShapeDtypeStruct((NW, LANES), jnp.float32),
        mesh=mesh,
        compiler_params=pltpu.CompilerParams(needs_layout_passes=False),
        scratch_types=[
            pltpu.VMEM((npw + LANES,), jnp.int32),
            pltpu.VMEM((npw,), jnp.float32),
            pltpu.VMEM((WIN,), jnp.int32),
            pltpu.VMEM((WIN,), jnp.float32),
            pltpu.VMEM((WIN,), jnp.float32),
            pltpu.VMEM((LANES,), jnp.float32),
            pltpu.SMEM((1,), jnp.int32),
            pltpu.SemaphoreType.DMA,
        ],
    )
    partials = grid_kernel(posx, posy, fnp_pad, starts_pad, weff_pad)
    return jnp.sum(partials)

# --- scband reference (transcript-rebuilt; emitter-appended) ---
"""Pipeline reference for scband-hpwl-60043642798465 (READ-ONLY COPY).

The authoritative reference and input builder live on the scoring server;
editing this copy changes nothing except your own understanding.
"""

import jax, jax.numpy as jnp
import numpy as np

NUM_PINS = 1600000
NUM_NETS = 400000

def setup_inputs(seed: int = 0) -> dict:
    key = jax.random.key(seed)
    k1, k2, k3, k4 = jax.random.split(key, 4)
    # pin positions: x array then y array concatenated, length 2*num_pins
    pos = jax.random.normal(k1, (2 * NUM_PINS,), dtype=jnp.float32) * 1000.0
    # flat netpin map: pin indices grouped net-by-net
    flat_netpin = jax.random.randint(k2, (NUM_PINS,), 0, NUM_PINS, dtype=jnp.int32)
    # netpin_start: sorted offsets, first entry 0, last entry num_pins
    starts = jnp.sort(jax.random.randint(k3, (NUM_NETS - 1,), 0, NUM_PINS, dtype=jnp.int32))
    netpin_start = jnp.concatenate([
        jnp.zeros((1,), dtype=jnp.int32),
        starts,
        jnp.full((1,), NUM_PINS, dtype=jnp.int32),
    ])
    net_weights = jax.random.uniform(k4, (NUM_NETS,), dtype=jnp.float32)
    net_mask = jnp.ones((NUM_NETS,), dtype=bool)
    return {
        "pos": pos,
        "flat_netpin": flat_netpin,
        "netpin_start": netpin_start,
        "net_weights": net_weights,
        "net_mask": net_mask,
    }


def reference(pos, flat_netpin, netpin_start, net_weights, net_mask):
    num_pins = flat_netpin.shape[0]
    num_nets = net_weights.shape[0]
    # segment id (net id) for each entry of flat_netpin, derived from netpin_start offsets
    pin_pos_idx = jnp.arange(num_pins, dtype=netpin_start.dtype)
    seg_ids = jnp.searchsorted(netpin_start, pin_pos_idx, side="right") - 1
    # gather pin coordinates net-by-net
    x = jnp.take(pos[:num_pins], flat_netpin, axis=0)
    y = jnp.take(pos[num_pins:], flat_netpin, axis=0)
    # per-net max/min via segment reductions (deterministic net-by-net HPWL)
    max_x = jax.ops.segment_max(x, seg_ids, num_segments=num_nets)
    min_x = jax.ops.segment_min(x, seg_ids, num_segments=num_nets)
    max_y = jax.ops.segment_max(y, seg_ids, num_segments=num_nets)
    min_y = jax.ops.segment_min(y, seg_ids, num_segments=num_nets)
    span = (max_x - min_x) + (max_y - min_y)
    lengths = netpin_start[1:] - netpin_start[:-1]
    valid = (lengths > 0) & net_mask
    hpwl_per_net = jnp.where(valid, span * net_weights, jnp.zeros_like(span))
    # output.sum(dim=0) -> scalar total wirelength
    return jnp.sum(hpwl_per_net)

if __name__ == "__main__":
    import jax
    _d = setup_inputs()
    print(jax.jit(kernel)(*tuple(_d.values())))

</pallas_src>

<mosaic_0001>
#map = affine_map<(d0, d1) -> (0)>
#map1 = affine_map<(d0, d1) -> (0, 0)>
module attributes {stable_mosaic.version = 14 : i64} {
  func.func @_body(%arg0: i32, %arg1: i32, %arg2: memref<1600000xf32, #tpu.memory_space<hbm>>, %arg3: memref<1600000xf32, #tpu.memory_space<hbm>>, %arg4: memref<1616384xi32, #tpu.memory_space<hbm>>, %arg5: memref<400400xi32, #tpu.memory_space<hbm>>, %arg6: memref<400384xf32, #tpu.memory_space<hbm>>, %arg7: memref<32x16xf32, #tpu.memory_space<hbm>>, %arg8: memref<12528xi32, #tpu.memory_space<vmem>>, %arg9: memref<12512xf32, #tpu.memory_space<vmem>>, %arg10: memref<16384xi32, #tpu.memory_space<vmem>>, %arg11: memref<16384xf32, #tpu.memory_space<vmem>>, %arg12: memref<16384xf32, #tpu.memory_space<vmem>>, %arg13: memref<16xf32, #tpu.memory_space<vmem>>, %arg14: memref<1xi32, #tpu.memory_space<smem>>, %arg15: memref<!tpu.dma_semaphore, #tpu.memory_space<semaphore_mem>>) attributes {dimension_semantics = [#tpu.dimension_semantics<core_parallel>, #tpu.dimension_semantics<subcore_parallel>], iteration_bounds = array<i64: 2, 16>, scalar_prefetch = 0 : i64, scratch_operands = 8 : i64, tpu.core_type = #tpu.core_type<sc_vector_subcore>, window_params = [{transform_indices = #map}, {transform_indices = #map}, {transform_indices = #map}, {transform_indices = #map}, {transform_indices = #map}, {transform_indices = #map1}]} {
    %mul3A = arith.constant 16 : i32
    %mul3A_0 = arith.muli %arg0, %mul3A : i32
    %add3A = arith.addi %mul3A_0, %arg1 : i32
    %mul3A_1 = arith.constant 12512 : i32
    %mul3A_2 = arith.muli %add3A, %mul3A_1 : i32
    %multiple_of3A = tpu.assume_multiple %mul3A_2, 12512 : i32
    "tpu.region"() ({
      %run_scoped3A = tpu.sem_alloc : memref<!tpu.dma_semaphore, #tpu.memory_space<semaphore_mem>>
      %dma_start3A = tpu.memref_slice %arg5[%multiple_of3A] : memref<400400xi32, #tpu.memory_space<hbm>> -> memref<12528xi32, #tpu.memory_space<hbm>>
      %dma_start3A_15 = tpu.memref_slice %arg5[%multiple_of3A] : memref<400400xi32, #tpu.memory_space<hbm>> -> memref<12528xi32, #tpu.memory_space<hbm>>
      tpu.enqueue_dma source(%dma_start3A_15 : memref<12528xi32, #tpu.memory_space<hbm>>) target(%arg8 : memref<12528xi32, #tpu.memory_space<vmem>>) target_semaphore(%run_scoped3A : memref<!tpu.dma_semaphore, #tpu.memory_space<semaphore_mem>>)
      %dma_wait3A = tpu.memref_slice %arg5[%multiple_of3A] : memref<400400xi32, #tpu.memory_space<hbm>> -> memref<12528xi32, #tpu.memory_space<hbm>>
      %dma_wait3A_16 = tpu.memref_slice %arg5[%multiple_of3A] : memref<400400xi32, #tpu.memory_space<hbm>> -> memref<12528xi32, #tpu.memory_space<hbm>>
      tpu.wait_dma2 semaphore(%run_scoped3A : memref<!tpu.dma_semaphore, #tpu.memory_space<semaphore_mem>>) src(%dma_wait3A_16 : memref<12528xi32, #tpu.memory_space<hbm>>) dst(%arg8 : memref<12528xi32, #tpu.memory_space<vmem>>)
      tpu.yield
    }) : () -> ()
    "tpu.region"() ({
      %run_scoped3A = tpu.sem_alloc : memref<!tpu.dma_semaphore, #tpu.memory_space<semaphore_mem>>
      %dma_start3A = tpu.memref_slice %arg6[%multiple_of3A] : memref<400384xf32, #tpu.memory_space<hbm>> -> memref<12512xf32, #tpu.memory_space<hbm>>
      %dma_start3A_15 = tpu.memref_slice %arg6[%multiple_of3A] : memref<400384xf32, #tpu.memory_space<hbm>> -> memref<12512xf32, #tpu.memory_space<hbm>>
      tpu.enqueue_dma source(%dma_start3A_15 : memref<12512xf32, #tpu.memory_space<hbm>>) target(%arg9 : memref<12512xf32, #tpu.memory_space<vmem>>) target_semaphore(%run_scoped3A : memref<!tpu.dma_semaphore, #tpu.memory_space<semaphore_mem>>)
      %dma_wait3A = tpu.memref_slice %arg6[%multiple_of3A] : memref<400384xf32, #tpu.memory_space<hbm>> -> memref<12512xf32, #tpu.memory_space<hbm>>
      %dma_wait3A_16 = tpu.memref_slice %arg6[%multiple_of3A] : memref<400384xf32, #tpu.memory_space<hbm>> -> memref<12512xf32, #tpu.memory_space<hbm>>
      tpu.wait_dma2 semaphore(%run_scoped3A : memref<!tpu.dma_semaphore, #tpu.memory_space<semaphore_mem>>) src(%dma_wait3A_16 : memref<12512xf32, #tpu.memory_space<hbm>>) dst(%arg9 : memref<12512xf32, #tpu.memory_space<vmem>>)
      tpu.yield
    }) : () -> ()
    %swap3A = arith.constant -16384 : i32
    %swap3A_3 = arith.constant 0 : i32
    %swap3A_4 = arith.index_cast %swap3A_3 : i32 to index
    %swap3A_5 = memref.load %arg14[%swap3A_4] : memref<1xi32, #tpu.memory_space<smem>>
    memref.store %swap3A, %arg14[%swap3A_4] : memref<1xi32, #tpu.memory_space<smem>>
    %iota3A = tpu.iota {dimensions = array<i32: 0>} : vector<16xi32>
    %broadcast_in_dim3A = arith.constant 0.000000e+00 : f32
    %broadcast_in_dim3A_6 = vector.broadcast %broadcast_in_dim3A : f32 to vector<16xf32>
    %scan3A = arith.constant 2147483632 : i32
    %scan3A_7 = arith.constant 0 : i32
    %scan3A_8 = arith.constant 782 : i32
    %scan3A_9 = arith.addi %scan3A_7, %scan3A_8 : i32
    %scan3A_10 = arith.constant 1 : i32
    %scan3A_11 = scf.for %scan3A_15 = %scan3A_7 to %scan3A_9 step %scan3A_10 iter_args(%scan3A_16 = %broadcast_in_dim3A_6) -> (vector<16xf32>)  : i32 {
      %mul3A_17 = arith.constant 16 : i32
      %mul3A_18 = arith.muli %scan3A_15, %mul3A_17 : i32
      %add3A_19 = vector.broadcast %mul3A_18 : i32 to vector<16xi32>
      %add3A_20 = arith.addi %add3A_19, %iota3A : vector<16xi32>
      %gather3A = tpu.vector_load_idx %arg8[%add3A_20] : memref<12528xi32, #tpu.memory_space<vmem>>[vector<16xi32>], vector<16xi32>,
      %add3A_21 = arith.constant 1 : i32
      %add3A_22 = arith.addi %mul3A_18, %add3A_21 : i32
      %add3A_23 = vector.broadcast %add3A_22 : i32 to vector<16xi32>
      %add3A_24 = arith.addi %add3A_23, %iota3A : vector<16xi32>
      %gather3A_25 = tpu.vector_load_idx %arg8[%add3A_24] : memref<12528xi32, #tpu.memory_space<vmem>>[vector<16xi32>], vector<16xi32>,
      %add3A_26 = vector.broadcast %mul3A_18 : i32 to vector<16xi32>
      %add3A_27 = arith.addi %add3A_26, %iota3A : vector<16xi32>
      %gather3A_28 = tpu.vector_load_idx %arg9[%add3A_27] : memref<12512xf32, #tpu.memory_space<vmem>>[vector<16xi32>], vector<16xf32>,
      %sub3A = arith.subi %gather3A_25, %gather3A : vector<16xi32>
      %broadcast_in_dim3A_29 = arith.constant 0x7F800000 : f32
      %broadcast_in_dim3A_30 = vector.broadcast %broadcast_in_dim3A_29 : f32 to vector<16xf32>
      %reduce_max3A = arith.constant true
      %reduce_max3A_31 = vector.broadcast %reduce_max3A : i1 to vector<16xi1>
      %reduce_max3A_32 = arith.constant -2147483648 : i32
      %reduce_max3A_33 = vector.broadcast %reduce_max3A_32 : i32 to vector<16xi32>
      %reduce_max3A_34 = arith.xori %sub3A, %reduce_max3A_33 : vector<16xi32>
      %reduce_max3A_35 = tpu.scan <max>, %reduce_max3A_34 masked %reduce_max3A_31 : vector<16xi32>, vector<16xi1> -> vector<16xi32>
      %reduce_max3A_36 = arith.xori %reduce_max3A_35, %reduce_max3A_33 : vector<16xi32>
      %reduce_max3A_37 = vector.extract %reduce_max3A_36[15] : i32 from vector<16xi32>
      %reduce_max3A_38 = arith.constant true
      %reduce_max3A_39 = vector.broadcast %reduce_max3A_38 : i1 to vector<16xi1>
      %reduce_max3A_40 = arith.constant -2147483648 : i32
      %reduce_max3A_41 = vector.broadcast %reduce_max3A_40 : i32 to vector<16xi32>
      %reduce_max3A_42 = arith.xori %gather3A_25, %reduce_max3A_41 : vector<16xi32>
      %reduce_max3A_43 = tpu.scan <max>, %reduce_max3A_42 masked %reduce_max3A_39 : vector<16xi32>, vector<16xi1> -> vector<16xi32>
      %reduce_max3A_44 = arith.xori %reduce_max3A_43, %reduce_max3A_41 : vector<16xi32>
      %reduce_max3A_45 = vector.extract %reduce_max3A_44[15] : i32 from vector<16xi32>
      %get3A = arith.constant 0 : i32
      %get3A_46 = arith.index_cast %get3A : i32 to index
      %get3A_47 = memref.load %arg14[%get3A_46] : memref<1xi32, #tpu.memory_space<smem>>
      %add3A_48 = arith.constant 16384 : i32
      %add3A_49 = arith.addi %get3A_47, %add3A_48 : i32
      %le3A = arith.cmpi sle, %reduce_max3A_45, %add3A_49 : i32
      %convert_element_type3A = arith.extui %le3A : i1 to i32
      %cond3A = arith.constant 0 : i32
      %cond3A_50 = arith.constant 0 : i32
      %cond3A_51 = arith.cmpi ne, %convert_element_type3A, %cond3A_50 : i32
      %cond3A_52:4 = scf.if %cond3A_51 -> (vector<16xf32>, vector<16xf32>, vector<16xf32>, vector<16xf32>) {
        %get3A_62 = arith.constant 0 : i32
        %get3A_63 = arith.index_cast %get3A_62 : i32 to index
        %get3A_64 = memref.load %arg14[%get3A_63] : memref<1xi32, #tpu.memory_space<smem>>
        %sub3A_65 = vector.broadcast %get3A_64 : i32 to vector<16xi32>
        %sub3A_66 = arith.subi %gather3A, %sub3A_65 : vector<16xi32>
        %neg3A = arith.constant 0.000000e+00 : f32
        %neg3A_67 = vector.broadcast %neg3A : f32 to vector<16xf32>
        %neg3A_68 = arith.subf %neg3A_67, %broadcast_in_dim3A_30 : vector<16xf32>
        %neg3A_69 = arith.constant 0.000000e+00 : f32
        %neg3A_70 = vector.broadcast %neg3A_69 : f32 to vector<16xf32>
        %neg3A_71 = arith.subf %neg3A_70, %broadcast_in_dim3A_30 : vector<16xf32>
        %while3A = arith.constant 0 : i32
        %while3A_72 = arith.subi %reduce_max3A_37, %while3A : i32
        %while3A_73 = arith.addi %while3A, %while3A_72 : i32
        %while3A_74 = arith.constant 1 : i32
        %while3A_75 = arith.divsi %while3A_72, %while3A_74 : i32
        %while3A_76 = arith.muli %while3A_75, %while3A_74 : i32
        %while3A_77 = arith.addi %while3A, %while3A_76 : i32
        %while3A_78 = arith.constant 1 : i32
        %while3A_79:4 = scf.for %while3A_82 = %while3A to %while3A_77 step %while3A_78 iter_args(%while3A_83 = %broadcast_in_dim3A_30, %while3A_84 = %neg3A_68, %while3A_85 = %broadcast_in_dim3A_30, %while3A_86 = %neg3A_71) -> (vector<16xf32>, vector<16xf32>, vector<16xf32>, vector<16xf32>)  : i32 {
          %lt3A = vector.broadcast %while3A_82 : i32 to vector<16xi32>
          %lt3A_87 = arith.cmpi slt, %lt3A, %sub3A : vector<16xi32>
          %add3A_88 = vector.broadcast %while3A_82 : i32 to vector<16xi32>
          %add3A_89 = arith.addi %sub3A_66, %add3A_88 : vector<16xi32>
          %gather3A_90 = tpu.vector_load_idx %arg11[%add3A_89] masked %lt3A_87 : memref<16384xf32, #tpu.memory_space<vmem>>[vector<16xi32>], vector<16xf32>, vector<16xi1>
          %gather3A_91 = tpu.vector_load_idx %arg12[%add3A_89] masked %lt3A_87 : memref<16384xf32, #tpu.memory_space<vmem>>[vector<16xi32>], vector<16xf32>, vector<16xi1>
          %select_n3A_92 = arith.select %lt3A_87, %gather3A_90, %broadcast_in_dim3A_30 : vector<16xi1>, vector<16xf32>
          %min3A = arith.minimumf %while3A_83, %select_n3A_92 : vector<16xf32>
          %neg3A_93 = arith.constant 0.000000e+00 : f32
          %neg3A_94 = vector.broadcast %neg3A_93 : f32 to vector<16xf32>
          %neg3A_95 = arith.subf %neg3A_94, %broadcast_in_dim3A_30 : vector<16xf32>
          %select_n3A_96 = arith.select %lt3A_87, %gather3A_90, %neg3A_95 : vector<16xi1>, vector<16xf32>
          %max3A = arith.maximumf %while3A_84, %select_n3A_96 : vector<16xf32>
          %select_n3A_97 = arith.select %lt3A_87, %gather3A_91, %broadcast_in_dim3A_30 : vector<16xi1>, vector<16xf32>
          %min3A_98 = arith.minimumf %while3A_85, %select_n3A_97 : vector<16xf32>
          %neg3A_99 = arith.constant 0.000000e+00 : f32
          %neg3A_100 = vector.broadcast %neg3A_99 : f32 to vector<16xf32>
          %neg3A_101 = arith.subf %neg3A_100, %broadcast_in_dim3A_30 : vector<16xf32>
          %select_n3A_102 = arith.select %lt3A_87, %gather3A_91, %neg3A_101 : vector<16xi1>, vector<16xf32>
          %max3A_103 = arith.maximumf %while3A_86, %select_n3A_102 : vector<16xf32>
          scf.yield %min3A, %max3A, %min3A_98, %max3A_103 : vector<16xf32>, vector<16xf32>, vector<16xf32>, vector<16xf32>
        }
        %while3A_80 = arith.constant 1 : i32
        %while3A_81:4 = scf.for %while3A_82 = %while3A_77 to %while3A_73 step %while3A_80 iter_args(%while3A_83 = %while3A_79#0, %while3A_84 = %while3A_79#1, %while3A_85 = %while3A_79#2, %while3A_86 = %while3A_79#3) -> (vector<16xf32>, vector<16xf32>, vector<16xf32>, vector<16xf32>)  : i32 {
          %lt3A = vector.broadcast %while3A_82 : i32 to vector<16xi32>
          %lt3A_87 = arith.cmpi slt, %lt3A, %sub3A : vector<16xi32>
          %add3A_88 = vector.broadcast %while3A_82 : i32 to vector<16xi32>
          %add3A_89 = arith.addi %sub3A_66, %add3A_88 : vector<16xi32>
          %gather3A_90 = tpu.vector_load_idx %arg11[%add3A_89] masked %lt3A_87 : memref<16384xf32, #tpu.memory_space<vmem>>[vector<16xi32>], vector<16xf32>, vector<16xi1>
          %gather3A_91 = tpu.vector_load_idx %arg12[%add3A_89] masked %lt3A_87 : memref<16384xf32, #tpu.memory_space<vmem>>[vector<16xi32>], vector<16xf32>, vector<16xi1>
          %select_n3A_92 = arith.select %lt3A_87, %gather3A_90, %broadcast_in_dim3A_30 : vector<16xi1>, vector<16xf32>
          %min3A = arith.minimumf %while3A_83, %select_n3A_92 : vector<16xf32>
          %neg3A_93 = arith.constant 0.000000e+00 : f32
          %neg3A_94 = vector.broadcast %neg3A_93 : f32 to vector<16xf32>
          %neg3A_95 = arith.subf %neg3A_94, %broadcast_in_dim3A_30 : vector<16xf32>
          %select_n3A_96 = arith.select %lt3A_87, %gather3A_90, %neg3A_95 : vector<16xi1>, vector<16xf32>
          %max3A = arith.maximumf %while3A_84, %select_n3A_96 : vector<16xf32>
          %select_n3A_97 = arith.select %lt3A_87, %gather3A_91, %broadcast_in_dim3A_30 : vector<16xi1>, vector<16xf32>
          %min3A_98 = arith.minimumf %while3A_85, %select_n3A_97 : vector<16xf32>
          %neg3A_99 = arith.constant 0.000000e+00 : f32
          %neg3A_100 = vector.broadcast %neg3A_99 : f32 to vector<16xf32>
          %neg3A_101 = arith.subf %neg3A_100, %broadcast_in_dim3A_30 : vector<16xf32>
          %select_n3A_102 = arith.select %lt3A_87, %gather3A_91, %neg3A_101 : vector<16xi1>, vector<16xf32>
          %max3A_103 = arith.maximumf %while3A_86, %select_n3A_102 : vector<16xf32>
          scf.yield %min3A, %max3A, %min3A_98, %max3A_103 : vector<16xf32>, vector<16xf32>, vector<16xf32>, vector<16xf32>
        }
        scf.yield %while3A_81#0, %while3A_81#1, %while3A_81#2, %while3A_81#3 : vector<16xf32>, vector<16xf32>, vector<16xf32>, vector<16xf32>
      } else {
        %broadcast_in_dim3A_62 = arith.constant 0 : i32
        %broadcast_in_dim3A_63 = vector.broadcast %broadcast_in_dim3A_62 : i32 to vector<16xi32>
        %neg3A = arith.constant 0.000000e+00 : f32
        %neg3A_64 = vector.broadcast %neg3A : f32 to vector<16xf32>
        %neg3A_65 = arith.subf %neg3A_64, %broadcast_in_dim3A_30 : vector<16xf32>
        %neg3A_66 = arith.constant 0.000000e+00 : f32
        %neg3A_67 = vector.broadcast %neg3A_66 : f32 to vector<16xf32>
        %neg3A_68 = arith.subf %neg3A_67, %broadcast_in_dim3A_30 : vector<16xf32>
        %while3A:5 = scf.while (%while3A_69 = %broadcast_in_dim3A_63, %while3A_70 = %broadcast_in_dim3A_30, %while3A_71 = %neg3A_65, %while3A_72 = %broadcast_in_dim3A_30, %while3A_73 = %neg3A_68) : (vector<16xi32>, vector<16xf32>, vector<16xf32>, vector<16xf32>, vector<16xf32>) -> (vector<16xi32>, vector<16xf32>, vector<16xf32>, vector<16xf32>, vector<16xf32>) {
          %lt3A = arith.cmpi slt, %while3A_69, %sub3A : vector<16xi32>
          %reduce_or3A = arith.constant 1.000000e+00 : f32
          %reduce_or3A_74 = arith.constant 0.000000e+00 : f32
          %reduce_or3A_75 = vector.broadcast %reduce_or3A : f32 to vector<16xf32>
          %reduce_or3A_76 = vector.broadcast %reduce_or3A_74 : f32 to vector<16xf32>
          %reduce_or3A_77 = arith.select %lt3A, %reduce_or3A_75, %reduce_or3A_76 : vector<16xi1>, vector<16xf32>
          %reduce_or3A_78 = arith.constant true
          %reduce_or3A_79 = vector.broadcast %reduce_or3A_78 : i1 to vector<16xi1>
          %reduce_or3A_80 = tpu.scan <max>, %reduce_or3A_77 masked %reduce_or3A_79 : vector<16xf32>, vector<16xi1> -> vector<16xf32>
          %reduce_or3A_81 = vector.extract %reduce_or3A_80[15] : f32 from vector<16xf32>
          %reduce_or3A_82 = arith.constant 0.000000e+00 : f32
          %reduce_or3A_83 = arith.cmpf ogt, %reduce_or3A_81, %reduce_or3A_82 : f32
          scf.condition(%reduce_or3A_83) %while3A_69, %while3A_70, %while3A_71, %while3A_72, %while3A_73 : vector<16xi32>, vector<16xf32>, vector<16xf32>, vector<16xf32>, vector<16xf32>
        } do {
        ^bb0(%while3A_69: vector<16xi32>, %while3A_70: vector<16xf32>, %while3A_71: vector<16xf32>, %while3A_72: vector<16xf32>, %while3A_73: vector<16xf32>):
          %lt3A = arith.cmpi slt, %while3A_69, %sub3A : vector<16xi32>
          %add3A_74 = arith.addi %gather3A, %while3A_69 : vector<16xi32>
          %get3A_75 = arith.constant 0 : i32
          %get3A_76 = arith.index_cast %get3A_75 : i32 to index
          %get3A_77 = memref.load %arg14[%get3A_76] : memref<1xi32, #tpu.memory_space<smem>>
          %add3A_78 = arith.constant 16384 : i32
          %add3A_79 = arith.addi %get3A_77, %add3A_78 : i32
          %lt3A_80 = vector.broadcast %add3A_79 : i32 to vector<16xi32>
          %lt3A_81 = arith.cmpi slt, %add3A_74, %lt3A_80 : vector<16xi32>
          %and3A = arith.andi %lt3A, %lt3A_81 : vector<16xi1>
          %reduce_or3A = arith.constant 1.000000e+00 : f32
          %reduce_or3A_82 = arith.constant 0.000000e+00 : f32
          %reduce_or3A_83 = vector.broadcast %reduce_or3A : f32 to vector<16xf32>
          %reduce_or3A_84 = vector.broadcast %reduce_or3A_82 : f32 to vector<16xf32>
          %reduce_or3A_85 = arith.select %and3A, %reduce_or3A_83, %reduce_or3A_84 : vector<16xi1>, vector<16xf32>
          %reduce_or3A_86 = arith.constant true
          %reduce_or3A_87 = vector.broadcast %reduce_or3A_86 : i1 to vector<16xi1>
          %reduce_or3A_88 = tpu.scan <max>, %reduce_or3A_85 masked %reduce_or3A_87 : vector<16xf32>, vector<16xi1> -> vector<16xf32>
          %reduce_or3A_89 = vector.extract %reduce_or3A_88[15] : f32 from vector<16xf32>
          %reduce_or3A_90 = arith.constant 0.000000e+00 : f32
          %reduce_or3A_91 = arith.cmpf ogt, %reduce_or3A_89, %reduce_or3A_90 : f32
          %not3A = arith.constant true
          %not3A_92 = arith.xori %reduce_or3A_91, %not3A : i1
          %convert_element_type3A_93 = arith.extui %not3A_92 : i1 to i32
          %cond3A_94 = arith.constant 0 : i32
          %cond3A_95 = arith.cmpi ne, %convert_element_type3A_93, %cond3A_94 : i32
          scf.if %cond3A_95 {
            %broadcast_in_dim3A_115 = vector.broadcast %scan3A : i32 to vector<16xi32>
            %select_n3A_116 = arith.select %lt3A, %add3A_74, %broadcast_in_dim3A_115 : vector<16xi1>, vector<16xi32>
            %reduce_min3A = arith.constant true
            %reduce_min3A_117 = vector.broadcast %reduce_min3A : i1 to vector<16xi1>
            %reduce_min3A_118 = arith.constant -2147483648 : i32
            %reduce_min3A_119 = vector.broadcast %reduce_min3A_118 : i32 to vector<16xi32>
            %reduce_min3A_120 = arith.xori %select_n3A_116, %reduce_min3A_119 : vector<16xi32>
            %reduce_min3A_121 = tpu.scan <min>, %reduce_min3A_120 masked %reduce_min3A_117 : vector<16xi32>, vector<16xi1> -> vector<16xi32>
            %reduce_min3A_122 = arith.xori %reduce_min3A_121, %reduce_min3A_119 : vector<16xi32>
            %reduce_min3A_123 = vector.extract %reduce_min3A_122[15] : i32 from vector<16xi32>
            %and3A_124 = arith.constant -128 : i32
            %and3A_125 = arith.andi %reduce_min3A_123, %and3A_124 : i32
            %multiple_of3A_126 = tpu.assume_multiple %and3A_125, 128 : i32
            "tpu.region"() ({
              %run_scoped3A = tpu.sem_alloc : memref<!tpu.dma_semaphore, #tpu.memory_space<semaphore_mem>>
              %dma_start3A_136 = tpu.memref_slice %arg4[%multiple_of3A_126] : memref<1616384xi32, #tpu.memory_space<hbm>> -> memref<16384xi32, #tpu.memory_space<hbm>>
              %dma_start3A_137 = tpu.memref_slice %arg4[%multiple_of3A_126] : memref<1616384xi32, #tpu.memory_space<hbm>> -> memref<16384xi32, #tpu.memory_space<hbm>>
              tpu.enqueue_dma source(%dma_start3A_137 : memref<16384xi32, #tpu.memory_space<hbm>>) target(%arg10 : memref<16384xi32, #tpu.memory_space<vmem>>) target_semaphore(%run_scoped3A : memref<!tpu.dma_semaphore, #tpu.memory_space<semaphore_mem>>)
              %dma_wait3A_138 = tpu.memref_slice %arg4[%multiple_of3A_126] : memref<1616384xi32, #tpu.memory_space<hbm>> -> memref<16384xi32, #tpu.memory_space<hbm>>
              %dma_wait3A_139 = tpu.memref_slice %arg4[%multiple_of3A_126] : memref<1616384xi32, #tpu.memory_space<hbm>> -> memref<16384xi32, #tpu.memory_space<hbm>>
              tpu.wait_dma2 semaphore(%run_scoped3A : memref<!tpu.dma_semaphore, #tpu.memory_space<semaphore_mem>>) src(%dma_wait3A_139 : memref<16384xi32, #tpu.memory_space<hbm>>) dst(%arg10 : memref<16384xi32, #tpu.memory_space<vmem>>)
              tpu.yield
            }) : () -> ()
            %dma_start3A = arith.constant 0 : i32
            %dma_start3A_127 = tpu.memref_slice %arg2[%dma_start3A] : memref<1600000xf32, #tpu.memory_space<hbm>> -> memref<1600000xf32, #tpu.memory_space<hbm>>
            tpu.enqueue_indirect_dma source(%dma_start3A_127 : memref<1600000xf32, #tpu.memory_space<hbm>>) target(%arg11 : memref<16384xf32, #tpu.memory_space<vmem>>) offsets(%arg10 : memref<16384xi32, #tpu.memory_space<vmem>>) semaphore(%arg15 : memref<!tpu.dma_semaphore, #tpu.memory_space<semaphore_mem>>)
            %dma_start3A_128 = arith.constant 0 : i32
            %dma_start3A_129 = tpu.memref_slice %arg3[%dma_start3A_128] : memref<1600000xf32, #tpu.memory_space<hbm>> -> memref<1600000xf32, #tpu.memory_space<hbm>>
            tpu.enqueue_indirect_dma source(%dma_start3A_129 : memref<1600000xf32, #tpu.memory_space<hbm>>) target(%arg12 : memref<16384xf32, #tpu.memory_space<vmem>>) offsets(%arg10 : memref<16384xi32, #tpu.memory_space<vmem>>) semaphore(%arg15 : memref<!tpu.dma_semaphore, #tpu.memory_space<semaphore_mem>>)
            %dma_wait3A = arith.constant 0 : i32
            %dma_wait3A_130 = tpu.memref_slice %arg2[%dma_wait3A] : memref<1600000xf32, #tpu.memory_space<hbm>> -> memref<1600000xf32, #tpu.memory_space<hbm>>
            tpu.wait_indirect_dma semaphore(%arg15 : memref<!tpu.dma_semaphore, #tpu.memory_space<semaphore_mem>>) src(%dma_wait3A_130 : memref<1600000xf32, #tpu.memory_space<hbm>>) dst(%arg11 : memref<16384xf32, #tpu.memory_space<vmem>>)
            %dma_wait3A_131 = arith.constant 0 : i32
            %dma_wait3A_132 = tpu.memref_slice %arg3[%dma_wait3A_131] : memref<1600000xf32, #tpu.memory_space<hbm>> -> memref<1600000xf32, #tpu.memory_space<hbm>>
            tpu.wait_indirect_dma semaphore(%arg15 : memref<!tpu.dma_semaphore, #tpu.memory_space<semaphore_mem>>) src(%dma_wait3A_132 : memref<1600000xf32, #tpu.memory_space<hbm>>) dst(%arg12 : memref<16384xf32, #tpu.memory_space<vmem>>)
            %swap3A_133 = arith.constant 0 : i32
            %swap3A_134 = arith.index_cast %swap3A_133 : i32 to index
            %swap3A_135 = memref.load %arg14[%swap3A_134] : memref<1xi32, #tpu.memory_space<smem>>
            memref.store %multiple_of3A_126, %arg14[%swap3A_134] : memref<1xi32, #tpu.memory_space<smem>>
          } else {
          }
          %get3A_96 = arith.constant 0 : i32
          %get3A_97 = arith.index_cast %get3A_96 : i32 to index
          %get3A_98 = memref.load %arg14[%get3A_97] : memref<1xi32, #tpu.memory_space<smem>>
          %sub3A_99 = vector.broadcast %get3A_98 : i32 to vector<16xi32>
          %sub3A_100 = arith.subi %add3A_74, %sub3A_99 : vector<16xi32>
          %lt3A_101 = arith.constant 16384 : i32
          %lt3A_102 = vector.broadcast %lt3A_101 : i32 to vector<16xi32>
          %lt3A_103 = arith.cmpi slt, %sub3A_100, %lt3A_102 : vector<16xi32>
          %and3A_104 = arith.andi %lt3A, %lt3A_103 : vector<16xi1>
          %gather3A_105 = tpu.vector_load_idx %arg11[%sub3A_100] masked %and3A_104 : memref<16384xf32, #tpu.memory_space<vmem>>[vector<16xi32>], vector<16xf32>, vector<16xi1>
          %gather3A_106 = tpu.vector_load_idx %arg12[%sub3A_100] masked %and3A_104 : memref<16384xf32, #tpu.memory_space<vmem>>[vector<16xi32>], vector<16xf32>, vector<16xi1>
          %min3A = arith.minimumf %while3A_70, %gather3A_105 : vector<16xf32>
          %select_n3A_107 = arith.select %and3A_104, %min3A, %while3A_70 : vector<16xi1>, vector<16xf32>
          %max3A = arith.maximumf %while3A_71, %gather3A_105 : vector<16xf32>
          %select_n3A_108 = arith.select %and3A_104, %max3A, %while3A_71 : vector<16xi1>, vector<16xf32>
          %min3A_109 = arith.minimumf %while3A_72, %gather3A_106 : vector<16xf32>
          %select_n3A_110 = arith.select %and3A_104, %min3A_109, %while3A_72 : vector<16xi1>, vector<16xf32>
          %max3A_111 = arith.maximumf %while3A_73, %gather3A_106 : vector<16xf32>
          %select_n3A_112 = arith.select %and3A_104, %max3A_111, %while3A_73 : vector<16xi1>, vector<16xf32>
          %convert_element_type3A_113 = arith.extui %and3A_104 : vector<16xi1> to vector<16xi32>
          %add3A_114 = arith.addi %while3A_69, %convert_element_type3A_113 : vector<16xi32>
          scf.yield %add3A_114, %select_n3A_107, %select_n3A_108, %select_n3A_110, %select_n3A_112 : vector<16xi32>, vector<16xf32>, vector<16xf32>, vector<16xf32>, vector<16xf32>
        }
        scf.yield %while3A#1, %while3A#2, %while3A#3, %while3A#4 : vector<16xf32>, vector<16xf32>, vector<16xf32>, vector<16xf32>
      }
      %sub3A_53 = arith.subf %cond3A_52#1, %cond3A_52#0 : vector<16xf32>
      %sub3A_54 = arith.subf %cond3A_52#3, %cond3A_52#2 : vector<16xf32>
      %add3A_55 = arith.addf %sub3A_53, %sub3A_54 : vector<16xf32>
      %gt3A = arith.constant 0 : i32
      %gt3A_56 = vector.broadcast %gt3A : i32 to vector<16xi32>
      %gt3A_57 = arith.cmpi sgt, %sub3A, %gt3A_56 : vector<16xi32>
      %mul3A_58 = arith.mulf %gather3A_28, %add3A_55 : vector<16xf32>
      %broadcast_in_dim3A_59 = arith.constant 0.000000e+00 : f32
      %broadcast_in_dim3A_60 = vector.broadcast %broadcast_in_dim3A_59 : f32 to vector<16xf32>
      %select_n3A = arith.select %gt3A_57, %mul3A_58, %broadcast_in_dim3A_60 : vector<16xi1>, vector<16xf32>
      %add3A_61 = arith.addf %scan3A_16, %select_n3A : vector<16xf32>
      scf.yield %add3A_61 : vector<16xf32>
    }
    %scan3A_12 = arith.constant 782 : i32
    %swap3A_13 = arith.constant 0 : index
    %swap3A_14 = tpu.vector_load %arg13[%swap3A_13] {strides = array<i32>} : memref<16xf32, #tpu.memory_space<vmem>>, vector<16xf32>,
    tpu.vector_store %arg13[%swap3A_13], %scan3A_11 {strides = array<i32>} : memref<16xf32, #tpu.memory_space<vmem>>, vector<16xf32>,
    "tpu.region"() ({
      %run_scoped3A = tpu.sem_alloc : memref<!tpu.dma_semaphore, #tpu.memory_space<semaphore_mem>>
      %dma_start3A = arith.constant 0 : i32
      %dma_start3A_15 = tpu.memref_slice %arg7[%add3A, %dma_start3A] : memref<32x16xf32, #tpu.memory_space<hbm>> -> memref<1x16xf32, #tpu.memory_space<hbm>>
      %dma_start3A_16 = tpu.memref_squeeze %dma_start3A_15 : memref<1x16xf32, #tpu.memory_space<hbm>> -> memref<16xf32, #tpu.memory_space<hbm>>
      %dma_start3A_17 = arith.constant 0 : i32
      %dma_start3A_18 = tpu.memref_slice %arg7[%add3A, %dma_start3A_17] : memref<32x16xf32, #tpu.memory_space<hbm>> -> memref<1x16xf32, #tpu.memory_space<hbm>>
      %dma_start3A_19 = tpu.memref_squeeze %dma_start3A_18 : memref<1x16xf32, #tpu.memory_space<hbm>> -> memref<16xf32, #tpu.memory_space<hbm>>
      tpu.enqueue_dma source(%arg13 : memref<16xf32, #tpu.memory_space<vmem>>) target(%dma_start3A_19 : memref<16xf32, #tpu.memory_space<hbm>>) target_semaphore(%run_scoped3A : memref<!tpu.dma_semaphore, #tpu.memory_space<semaphore_mem>>)
      %dma_wait3A = arith.constant 0 : i32
      %dma_wait3A_20 = tpu.memref_slice %arg7[%add3A, %dma_wait3A] : memref<32x16xf32, #tpu.memory_space<hbm>> -> memref<1x16xf32, #tpu.memory_space<hbm>>
      %dma_wait3A_21 = tpu.memref_squeeze %dma_wait3A_20 : memref<1x16xf32, #tpu.memory_space<hbm>> -> memref<16xf32, #tpu.memory_space<hbm>>
      %dma_wait3A_22 = arith.constant 0 : i32
      %dma_wait3A_23 = tpu.memref_slice %arg7[%add3A, %dma_wait3A_22] : memref<32x16xf32, #tpu.memory_space<hbm>> -> memref<1x16xf32, #tpu.memory_space<hbm>>
      %dma_wait3A_24 = tpu.memref_squeeze %dma_wait3A_23 : memref<1x16xf32, #tpu.memory_space<hbm>> -> memref<16xf32, #tpu.memory_space<hbm>>
      tpu.wait_dma2 semaphore(%run_scoped3A : memref<!tpu.dma_semaphore, #tpu.memory_space<semaphore_mem>>) src(%arg13 : memref<16xf32, #tpu.memory_space<vmem>>) dst(%dma_wait3A_24 : memref<16xf32, #tpu.memory_space<hbm>>)
      tpu.yield
    }) : () -> ()
    return
  }
}

</mosaic_0001>

<sc_bundles>
// kernel: kernel.3.cloned.1.call-start
scs
__scs_entry_jumppad:
0x0: {  	(pc) =	sbr.rel $0x88, $3  }
0x1: {  	(tag) =	ssettag $0x0;
	lr =	simm.s32 $0x1  }
0x2: {  	[smem:$0x3F9C] =	sst lr;
	_ =	strace $0xD0000000  }
0x3: {  	_ = 	snop  }
0x4: {  	_ = 	snop  }
0x5: {  	_ = 	snop  }
0x6: {  	_ = 	snop  }
0x7: {  	_ = 	snop  }
__scs_overlays_trampoline_lowered:
0x8: {  	[smem:$0x3FAB] =	sst s0  }
0x9: {  	[smem:$0x3FAC] =	sst s1  }
0xa: {  	[smem:$0x3FAD] =	sst s2  }
0xb: {  	[smem:$0x3FAE] =	sst s3  }
0xc: {  	[smem:$0x3FAF] =	sst s4  }
0xd: {  	[smem:$0x3FB0] =	sst s5  }
0xe: {  	[smem:$0x3FB1] =	sst s6  }
0xf: {  	[smem:$0x3FB2] =	sst s7  }
0x10: {  	[smem:$0x3FB3] =	sst s8  }
0x11: {  	[smem:$0x3FB4] =	sst s9;
	s0 =	simm.s32 @!p0 $0x0  }
0x12: {  	s1 =	sld [smem:$0x3F9A];
	s0 =	simm.s32 @p0 $0x1  }
0x13: {  	[smem:$0x3FB5] =	sst s0;
	s0 =	simm.s32 @!p1 $0x0  }
0x14: {  	s2 =	sld [smem:$0x3F99];
	s0 =	simm.s32 @p1 $0x1  }
0x15: {  	[smem:$0x3FB6] =	sst s0;
	s0 =	simm.s32 @!p2 $0x0  }
0x16: {  	s3 =	sld [smem:$0x3FDB];
	s0 =	simm.s32 @p2 $0x1  }
0x17: {  	s4 =	simm.s32 $0x1BF5;
	[smem:$0x3FB8] =	sst s0  }
0x18: {  	s0 =	sld [smem:$0x3F9B];
	_ =	swait.ge [sflag:s4], $0x0  }
0x19: {  	s7 =	sld [smem:$0x3F9C]  }
0x1a: {  	s8 =	sadd.s32 $0xFFFFE003, lr  }
0x1b: {  	s9 =	sadd.s32 $0xFFFFFEF7, lr;
	s5 =	simm.s32 $0xFFFFFFFF;
	p2 =	slt.u32 s8, $0xFFFFF086  }
0x1c: {  	p1 =	slt.u32 s9, $0xF7A;
	s5 =	simm.s32 @!p2 $0x0  }
0x1d: {  	s5 =	simm.s32 @p1 $0x1;
	p0 =	seq.s32 s7, s2  }
0x1e: {  	s7 =	smul.u32 @!p0 $0xF7A, s2;
	p2 =	seq.s32 @!p0 s5, $0x0  }
0x1f: {  	s9 =	smul.u32 $0xF7A, s1;
	s8 =	simm.s32 @!p0 $0x1BF5;
	p2 =	por !p2, p0  }
0x20: {  	[sflag:s8] =	ssyncset.s32 @!p0 $0xFFFFF086;
	s6 =	sadd.s32 @!p0 s3, s7;
	s7 =	simm.s32 @!p0 $0x108  }
0x21: {  	s3 =	sadd.s32 s3, s9;
	s6 =	sadd.s32 @!p0 $0x88, s6;
	s7 =	simm.s32 @p2 $0x1082  }
0x22: {  	[simem:s7], [sflag:s8] =	dma.local @!p0 [hbm:s6], $0xF7A  }
0x23: {  	s9 =	sor.u32 $0xD0000000, s2;
	s6 =	simm.s32 $0x108;
	_ =	swait.ge @!p0 [sflag:s8], $0x0  }
0x24: {  	s3 =	sadd.s32 $0x88, s3;
	s6 =	simm.s32 @!p1 $0x1082;
	[sflag:s4] =	ssyncset.s32 $0xFFFFF086  }
0x25: {  	[simem:s6], [sflag:s4] =	dma.local [hbm:s3], $0xF7A  }
0x26: {  	[smem:$0x3F9C] =	sst s1;
	(tag) =	ssettag s2;
	_ =	strace s9  }
0x27: {  	s1 =	sld [smem:$0x3FAC]  }
0x28: {  	s2 =	sld [smem:$0x3FAD]  }
0x29: {  	s4 =	sld [smem:$0x3FAF]  }
0x2a: {  	p0 =	seq.s32 s5, $0x0;
	s5 =	sld [smem:$0x3FB0]  }
0x2b: {  	s6 =	sld [smem:$0x3FB1]  }
0x2c: {  	s7 =	sld [smem:$0x3FB2]  }
0x2d: {  	s3 =	simm.s32 $0x108;
	s8 =	sld [smem:$0x3FB3]  }
0x2e: {  	s3 =	simm.s32 @!p0 $0x1082;
	s9 =	sld [smem:$0x3FB4]  }
0x2f: {  	lr =	sadd.s32 s0, s3;
	s0 =	sld [smem:$0x3FAB]  }
0x30: {  	s3 =	sld [smem:$0x3FAE]  }
0x31: {  	[smem:$0x3FB7] =	sst s10  }
0x32: {  	s10 =	sld [smem:$0x3FB5];
	_ =	sdelay $0x3  }
0x33: {  	p0 =	seq.s32 s10, $0x1;
	s10 =	sld [smem:$0x3FB7];
	_ =	sdelay $0x3  }
0x34: {  	[smem:$0x3FB7] =	sst s10  }
0x35: {  	s10 =	sld [smem:$0x3FB6];
	_ =	sdelay $0x3  }
0x36: {  	p1 =	seq.s32 s10, $0x1;
	s10 =	sld [smem:$0x3FB7];
	_ =	sdelay $0x3  }
0x37: {  	[smem:$0x3FB7] =	sst s10  }
0x38: {  	s10 =	sld [smem:$0x3FB8]  }
0x39: {  	_ = 	snop;
	(pc) =	sbr.ind lr, $3  }
0x3a: {  	_ = 	snop  }
0x3b: {  	_ = 	snop  }
0x3c: {  	p2 =	seq.s32 s10, $0x1;
	s10 =	sld [smem:$0x3FB7]  }
0x3d: {  	_ =	shalt  }
0x3e: {  	_ =	shalt  }
0x3f: {  	_ =	shalt  }
0x40: {  	_ =	shalt  }
0x41: {  	_ =	shalt  }
0x42: {  	_ =	shalt  }
0x43: {  	_ =	shalt  }
0x44: {  	_ =	shalt  }
0x45: {  	_ =	shalt  }
0x46: {  	_ =	shalt  }
0x47: {  	_ =	shalt  }
0x48: {  	_ =	shalt  }
0x49: {  	_ =	shalt  }
0x4a: {  	_ =	shalt  }
0x4b: {  	_ =	shalt  }
0x4c: {  	_ =	shalt  }
0x4d: {  	_ =	shalt  }
0x4e: {  	_ =	shalt  }
0x4f: {  	_ =	shalt  }
0x50: {  	_ =	shalt  }
0x51: {  	_ =	shalt  }
0x52: {  	_ =	shalt  }
0x53: {  	_ =	shalt  }
0x54: {  	_ =	shalt  }
0x55: {  	_ =	shalt  }
0x56: {  	_ =	shalt  }
0x57: {  	_ =	shalt  }
0x58: {  	_ =	shalt  }
0x59: {  	_ =	shalt  }
0x5a: {  	_ =	shalt  }
0x5b: {  	_ =	shalt  }
0x5c: {  	_ =	shalt  }
0x5d: {  	_ =	shalt  }
0x5e: {  	_ =	shalt  }
0x5f: {  	_ =	shalt  }
0x60: {  	_ =	shalt  }
0x61: {  	_ =	shalt  }
0x62: {  	_ =	shalt  }
0x63: {  	_ =	shalt  }
0x64: {  	_ =	shalt  }
0x65: {  	_ =	shalt  }
0x66: {  	_ =	shalt  }
0x67: {  	_ =	shalt  }
0x68: {  	_ =	shalt  }
0x69: {  	_ =	shalt  }
0x6a: {  	_ =	shalt  }
0x6b: {  	_ =	shalt  }
0x6c: {  	_ =	shalt  }
0x6d: {  	_ =	shalt  }
0x6e: {  	_ =	shalt  }
0x6f: {  	_ =	shalt  }
0x70: {  	_ =	shalt  }
0x71: {  	_ =	shalt  }
0x72: {  	_ =	shalt  }
0x73: {  	_ =	shalt  }
0x74: {  	_ =	shalt  }
0x75: {  	_ =	shalt  }
0x76: {  	_ =	shalt  }
0x77: {  	_ =	shalt  }
0x78: {  	_ =	shalt  }
0x79: {  	_ =	shalt  }
0x7a: {  	_ =	shalt  }
0x7b: {  	_ =	shalt  }
0x7c: {  	_ =	shalt  }
0x7d: {  	_ =	shalt  }
0x7e: {  	_ =	shalt  }
0x7f: {  	_ =	shalt  }
0x80: {  	_ =	shalt  }
0x81: {  	_ =	shalt  }
0x82: {  	_ =	shalt  }
0x83: {  	_ =	shalt  }
0x84: {  	_ =	shalt  }
0x85: {  	_ =	shalt  }
0x86: {  	_ =	shalt  }
0x87: {  	_ =	shalt  }
.Lfunc_end0:
.L_simem_size_0:
called_computation_lowered:
.L_overlay_start_0:
0x88: {  	s2 =	sld [smem:$0x3FD9]  }
0x89: {  	s3 =	sld [smem:$0x3FFE];
	_ =	sdelay $0x1  }
0x8a: {  	s1 =	srdreg.scid  }
0x8b: {  	s0 =	sand.u32 $0x1, s1  }
0x8c: {  	s16 =	sshll.u32 s0, $0xA;
	s2 =	sadd.s32 s3, s2  }
0x8d: {  	s2 =	sadd.s32 s2, s16  }
0x8e: {  	[smem:$0x3FC3] =	sst s2  }
0x8f: {  	_ = 	snop  }
0x90: {  	(tm) =	ssettm $0x1  }
0x91: {  	s17 =	sld [smem:$0x3FFB];
	_ =	sdelay $0x3  }
0x92: {  	_ =	strace s17  }
0x93: {  	s2 =	sld [smem:$0x3FFC];
	_ =	sdelay $0x3  }
0x94: {  	_ =	strace s2  }
0x95: {  	s2 =	sld [smem:$0x3FFD];
	_ =	sdelay $0x3  }
0x96: {  	_ =	strace s2  }
0x97: {  	_ =	strace $0x8FFFFFFF  }
0x98: {  	s18 =	sld [smem:$0x3FDB];
	_ =	sdelay $0x1  }
0x99: {  	s19 =	simm.s32 $_scs_section_size  }
0x9a: {  	s4 =	simm.s32 $_size__tile_overlayer_lowered;
	s5 =	simm.s32 $_tile_overlayer_lowered  }
0x9b: {  	s22 =	simm.s32 $0x1BFF;
	s21 =	sshll.u32 s5, $0x1;
	s2 =	sadd.s32 s19, s18  }
0x9c: {  	s6 =	simm.s32 $0x0;
	s20 =	sshll.u32 s4, $0x1;
	s4 =	sadd.s32 s21, s2  }
0x9d: {  	[timem:s6], [sflag:s22] =	dma.local [hbm:s4], s20  }
0x9e: {  	_ =	swait.ge [sflag:s22], s20  }
0x9f: {  	s3 =	ssub.s32 $0x0, s20;
	[sflag:s22] =	ssyncset.done $0x0  }
0xa0: {  	[sflag:s22] =	ssyncadd.s32 s3;
	_ =	sdelay $0x1  }
0xa1: {  	s23 =	simm.s32 $0x1B8B  }
0xa2: {  	_ =	swait.ge [sflag:s23], $0x1  }
0xa3: {  	[sflag:s23] =	ssyncset.done $0x0  }
0xa4: {  	s25 =	simm.s32 $0x1B8E;
	s24 =	sld [smem:$0x3FFE];
	[sflag:s23] =	ssyncadd.s32 $0xFFFFFFFF  }
0xa5: {  	s26 =	simm.s32 $execute0_lowered;
	[smem:$0x3FD2] =	sst s25  }
0xa6: {  	s4 =	sshll.u32 s26, $0x1;
	_ =	strace $0x80000046;
	[dreg:$0x1] =	wrdreg $0xFFFFFFFF  }
0xa7: {  	s28 =	simm.s32 $_size_execute0_lowered;
	s2 =	sadd.s32 s2, s4;
	[dreg:$0x0] =	wrdreg $0x0  }
0xa8: {  	s4 =	sshll.u32 s28, $0x1;
	[dreg:$0x2] =	wrdreg s2  }
0xa9: {  	[dreg:$0x3] =	wrdreg s4  }
0xaa: {  	[dreg:$0x4] =	wrdreg $0xC0  }
0xab: {  	_ =	task [dreg:s6], $0x5FFFF  }
0xac: {  	[dreg:$0x1] =	wrdreg $0xFFFFFFFF  }
0xad: {  	[dreg:$0x0] =	wrdreg $0x60  }
0xae: {  	[dreg:$0x2] =	wrdreg s24  }
0xaf: {  	[dreg:$0x3] =	wrdreg $0x9  }
0xb0: {  	_ =	task.clear_ibuf [dreg:s6], $0x4FFFF;
	_ =	strace $0x90000046  }
0xb1: {  	s29 =	simm.s32 $0x9;
	_ =	strace $0x80000048  }
0xb2: {  	_ =	swait.ge [sflag:s29], $0x1  }
0xb3: {  	[sflag:s29] =	ssyncadd.s32 $0xFFFFFFFF  }
0xb4: {  	_ =	strace $0x90000048  }
0xb5: {  	_ =	sfence  }
0xb6: {  	s30 =	sld [smem:$0x0];
	_ =	sdelay $0x2  }
0xb7: {  	s31 =	sshll.u32 s1, $0xD;
	s1 =	sshrl.u32 s1, $0x2  }
0xb8: {  	s3 =	sand.u32 $0x4000, s31;
	s1 =	sadd.s32 s1, s30  }
0xb9: {  	s0 =	sor.u32 s3, s0;
	s1 =	sshll.u32 s1, $0x11  }
0xba: {  	s0 =	sor.u32 s1, s0  }
0xbb: {  	s0 =	sadd.s32 $0x8F2B, s0  }
0xbc: {  	[sflag:s0] =	ssyncadd.remote.s32 $0x1  }
0xbd: {  	_ =	sfence.sel $0xFFFF  }
0xbe: {  	[dreg:$0x0] =	wrdreg $0xFFFFFFFF;
	(pc) =	sbr.abs _section_cstart, $3  }
0xbf: {  	[dreg:$0x1] =	wrdreg $0xFFFFFFFF  }
0xc0: {  	_ =	task.clear_ibuf [dreg:s6], $0x2FFFF;
	_ =	strace $0x9FFFFFFF  }
0xc1: {  	(tm) =	ssettm $0x7FFFFFFF  }
tec
execute0_lowered:
.L_overlay_start_1:
0x0: {  	(tag) =	ssettag $0x1  }
0x1: {  	s0 =	srdreg.scid;
	s7 =	rddreg [dreg:$0x0]  }
0x2: {  	s1 =	stileid.u32;
	s2 =	simm.s32 $0x0;
	s11 =	simm.s32 $0x3100  }
0x3: {  	s12 =	simm.s32 $0xA200;
	s13 =	simm.s32 $0xE200;
	s14 =	simm.s32 $0x12200  }
0x4: {  	s15 =	simm.s32 $0x0;
	s6 =	sand.u32 $0x1, s0;
	s0 =	rddreg [dreg:$0x1]  }
0x5: {  	[smem:$0x7FF] =	sst s2;
	s4 =	sadd.s32 $0x1000, s7;
	s3 =	sshll.u32 s6, $0x4  }
0x6: {  	s5 =	sadd.s32 $0x7B400, s7;
	s10 =	sshll.u32 s1, $0x4;
	s8 =	sor.u32 s1, s3  }
0x7: {  	_ =	strace $0x80000047;
	s10 =	sand.u32 $0x70, s10;
	s9 =	smul.u32 $0x61C, s8  }
.Ltmp0:
0x8: {  	s6 =	ssub.s32 $0x2, s6;
	s8 =	sshll.u32 s8, $0x4;
	(pc) =	sbr.rel .LBB2_1-.Ltmp0, $4  }
0x9: {  	s3 =	sadd.s32 $0x31E00, s7;
	s31 =	sshrl.u32 s6, $0x1;
	s8 =	sand.u32 $0x180, s8  }
0xa: {  	s9 =	sadd.s32 s9, s7;
	s7 =	sadd.s32 s10, s7;
	s10 =	ssub.s32 s6, s31  }
0xb: {  	s6 =	sadd.s32 $0x6F000, s9;
	s8 =	sadd.s32 s8, s7;
	s7 =	sadd.s32 $0x62C00, s9  }
0xc: {  	v0 =	vlaneseq.u32;
	v1 =	vimm.f32 $0.0e+00;
	v2 =	vimm.s32 $0x0;
	s9 =	smax.u32 s10, $0x1;
	s10 =	simm.s32 $0x2;
	s8 =	sadd.s32 $0xACA00, s8  }
.LBB2_17:
0xd: {  	s15 =	sadd.s32 $0x1, s15  }
0xe: {  	p0 =	sne.s32 s15, s9  }
.Ltmp1:
0xf: {  	[tilespmem:$0x12200] =	vst v3;
	(pc) =	sbr.rel @!p0 .LBB2_18-.Ltmp1, $4  }
0x10: {  	[hbm4b:s8+s2] =	stream.linear.scatter [tilespmem:s14], [sflag:$0x2], $0x80, $0x38;
	[tilespmem:$0x12280] =	vst v63  }
0x11: {  	_ =	swait.ge [sflag:s10], $0x80  }
0x12: {  	[sflag:s10] =	ssyncset.done $0x0  }
0x13: {  	[sflag:s10] =	ssyncadd.s32 $0xFFFFFF80  }
.LBB2_1:
0x14: {  	[tilespmem:s2], [sflag:$0x2] =	stream.linear.gather [hbm4b:s6+s2], $0x30F0, $0x38;
	[tilespmem:$0x12280] =	vst v63  }
0x15: {  	_ =	swait.ge [sflag:s10], $0x30F0  }
0x16: {  	[sflag:s10] =	ssyncset.done $0x0  }
0x17: {  	[sflag:s10] =	ssyncadd.s32 $0xFFFFCF10  }
0x18: {  	[tilespmem:s11], [sflag:$0x2] =	stream.linear.gather [hbm4b:s7+s2], $0x30E0, $0x38;
	[tilespmem:$0x12280] =	vst v63  }
.Ltmp2:
0x19: {  	_ = 	snop;
	(pc) =	sbr.rel .LBB2_2-.Ltmp2, $4  }
0x1a: {  	_ =	swait.ge [sflag:s10], $0x30E0  }
0x1b: {  	[sflag:s10] =	ssyncset.done $0x0  }
0x1c: {  	s16 =	simm.s32 $0xFFFFC000;
	[sflag:s10] =	ssyncadd.s32 $0xFFFFCF20  }
0x1d: {  	s18 =	simm.s32 $0xFFFFC000;
	v3 =	vimm.f32 $0.0e+00;
	s17 =	simm.s32 $0x0;
	[smem:$0x0] =	sst s16  }
.LBB2_6:
0x1e: {  	v9 =	vimm.f32 $+Inf;
	v10 =	vimm.f32 $-Inf  }
.LBB2_16:
0x1f: {  	v5 =	vsub.f32 v6, v5;
	v63 =	vsub.f32 v10, v9  }
0x20: {  	s17 =	sadd.s32 $0x1, s17  }
0x21: {  	p0 =	sne.s32 s17, $0x30E;
	v5 =	vadd.f32 v63, v5  }
.Ltmp3:
0x22: {  	_ = 	snop;
	(pc) =	sbr.rel @!p0 .LBB2_17-.Ltmp3, $3  }
0x23: {  	v4 =	vmul.f32 v5, v4;
	_ =	sdelay $0x1  }
0x24: {  	v4 =	vnsel vm0, $0x0, v4  }
0x25: {  	v3 =	vadd.f32 v4, v3  }
.LBB2_2:
0x26: {  	s19 =	sshll.u32 s17, $0x4  }
0x27: {  	v4 =	vor.u32 s19, v0;
	s19 =	sor.u32 $0x1, s19  }
0x28: {  	v5 =	vadd.s32 s19, v0;
	_ =	sdelay $0x3  }
0x29: {  	v8 =	vld.idx.msk [tilespmem:v4+s2+$0x0], $0xffff  }
0x2a: {  	v5 =	vld.idx.msk [tilespmem:v5+s2+$0x0], $0xffff;
	_ =	sdelay $0x4  }
0x2b: {  	v7 =	vsub.s32 v5, v8  }
0x2c: {  	v6 =	vxor.u32 $0x80000000, v7  }
0x2d: {  	v5 =	vxor.u32 $0x80000000, v5;
	(xrf0) =	vmax.scan.msk.u32 $0xffff, v6  }
0x2e: {  	(xrf0) =	vmax.scan.msk.u32 $0xffff, v5;
	_ =	sdelay $0x4  }
0x2f: {  	v5, _, _ =	vpop (xrf0)  }
0x30: {  	(v2sf) =	vpush v5, $0xF;
	v5, _, _ =	vpop (xrf0)  }
0x31: {  	(v2sf) =	vpush v5, $0xF;
	_ =	sdelay $0xd  }
0x32: {  	s19 =	spop (v2sf)  }
0x33: {  	s20 =	spop (v2sf)  }
0x34: {  	s21 =	sadd.s32 $0x4000, s18;
	s20 =	sxor.u32 $0x80000000, s20  }
0x35: {  	p0 =	sle.s32 s20, s21  }
.Ltmp4:
0x36: {  	_ = 	snop;
	(pc) =	sbr.rel @p0 .LBB2_5-.Ltmp4, $2  }
0x37: {  	_ =	sdelay $0x2  }
0x38: {  	v4 =	vld.idx.msk [tilespmem:v4+s11+$0x0], $0xffff;
	vm0 =	vgt.s32 v7, $0x0  }
0x39: {  	v5 =	vsel vm0, $0x3F800000, v1  }
0x3a: {  	(xrf0) =	vmax.scan.msk.f32 $0xffff, v5;
	_ =	sdelay $0x5  }
0x3b: {  	v5, _, _ =	vpop (xrf0)  }
0x3c: {  	(v2sf) =	vpush v5, $0xF;
	_ =	sdelay $0xe  }
0x3d: {  	s19 =	spop (v2sf)  }
0x3e: {  	p0 =	sgt.f32 s19, $0.0e+00  }
.Ltmp5:
0x3f: {  	_ = 	snop;
	(pc) =	sbr.rel @!p0 .LBB2_16-.Ltmp5, $3  }
0x40: {  	_ =	sdelay $0x1  }
0x41: {  	v11 =	vimm.s32 $0x0;
	v9 =	vimm.f32 $+Inf;
	v10 =	vimm.f32 $-Inf  }
0x42: {  	vm1 =	vmmov vm0;
	v6 =	vimm.f32 $-Inf;
	v5 =	vimm.f32 $+Inf;
	s19 =	smov.u32 s16  }
.LBB2_4:
0x43: {  	v12 =	vadd.s32 v8, v11;
	s29 =	sadd.s32 $0x4000, s19  }
0x44: {  	vm2 =	vlt.s32 v12, s29  }
0x45: {  	vm2 =	vmand vm1, vm2  }
0x46: {  	v13 =	vsel vm2, $0x3F800000, v1  }
0x47: {  	(xrf0) =	vmax.scan.msk.f32 $0xffff, v13;
	_ =	sdelay $0x5  }
0x48: {  	v13, _, _ =	vpop (xrf0)  }
0x49: {  	(v2sf) =	vpush v13, $0xF;
	_ =	sdelay $0xe  }
0x4a: {  	s30 =	spop (v2sf)  }
0x4b: {  	p0 =	sgt.f32 s30, $0.0e+00;
	_ =	sdelay $0x1  }
0x4c: {  	v13 =	vxor.u32 @!p0 $0x80000000, v12  }
0x4d: {  	v13 =	vnsel @!p0 vm1, $0xFFFFFFF0, v13  }
0x4e: {  	(xrf0) =	vmin.scan.msk.u32 @!p0 $0xffff, v13;
	_ =	sdelay $0x5  }
0x4f: {  	v13, _, _ =	vpop @!p0 (xrf0)  }
0x50: {  	(v2sf) =	vpush @!p0 v13, $0xF;
	_ =	sdelay $0xe  }
0x51: {  	s18 =	smov.u32 s19;
	s19 =	spop @!p0 (v2sf)  }
0x52: {  	s19 =	sand.u32 @!p0 $0xFFFFFF80, s19  }
0x53: {  	s19 =	sxor.u32 @!p0 $0x80000000, s19  }
0x54: {  	s20 =	sshrl.u32 @!p0 s19, $0x3  }
0x55: {  	s21 =	simm.s32 @!p0 $0x0;
	s22 =	simm.s32 @!p0 $0x6200;
	s20 =	sadd.s32 @!p0 s5, s20  }
0x56: {  	[tilespmem:s22], [sflag:$0x2] =	stream.linear.gather @!p0 [hbm4b:s20+s21], $0x4000, $0x38;
	[tilespmem:$0x12280] =	vst v63  }
0x57: {  	s20 =	simm.s32 @!p0 $0x2  }
0x58: {  	_ =	swait.ge @!p0 [sflag:s20], $0x4000  }
0x59: {  	[sflag:s20] =	ssyncset.done @!p0 $0x0  }
0x5a: {  	s21 =	simm.s32 @!p0 $0xA200;
	[sflag:s20] =	ssyncadd.s32 @!p0 $0xFFFFC000;
	s20 =	simm.s32 @!p0 $0x4000  }
0x5b: {  	[tilespmem:s21], [sflag:$0x1] =	stream.indirect.gather @!p0 [hbm4b:s3+s20], $0x1, s22, s20, $0xb8;
	[tilespmem:$0x12280] =	vst v63  }
0x5c: {  	s21 =	simm.s32 @!p0 $0xE200  }
0x5d: {  	[tilespmem:s21], [sflag:$0x1] =	stream.indirect.gather @!p0 [hbm4b:s4+s20], $0x1, s22, s20, $0xb8;
	[tilespmem:$0x12280] =	vst v63  }
0x5e: {  	s20 =	simm.s32 @!p0 $0x1  }
0x5f: {  	_ =	swait.ge @!p0 [sflag:s20], $0x4000  }
0x60: {  	[sflag:s20] =	ssyncset.done @!p0 $0x0  }
0x61: {  	[sflag:s20] =	ssyncadd.s32 @!p0 $0xFFFFC000  }
0x62: {  	_ =	swait.ge @!p0 [sflag:s20], $0x4000  }
0x63: {  	[sflag:s20] =	ssyncset.done @!p0 $0x0  }
0x64: {  	s21 =	smov.u32 s16;
	[sflag:s20] =	ssyncadd.s32 @!p0 $0xFFFFC000  }
0x65: {  	s16 =	smov.u32 s19;
	[smem:$0x0] =	sst @!p0 s19;
	s19 =	smov.u32 @p0 s18  }
0x66: {  	v59 =	vmov s19  }
0x67: {  	v12 =	vsub.s32 v12, v59  }
0x68: {  	vm2 =	vlt.s32 v12, $0x4000  }
0x69: {  	vm2 =	vmand vm1, vm2  }
0x6a: {  	v60 =	vsel vm2, $0x1, v2  }
0x6b: {  	v11 =	vadd.s32 v60, v11  }
0x6c: {  	vm1 =	vlt.s32 v11, v7  }
0x6d: {  	v61 =	vsel vm1, $0x3F800000, v1  }
0x6e: {  	(xrf0) =	vmax.scan.msk.f32 $0xffff, v61;
	_ =	sdelay $0x5  }
0x6f: {  	v13, _, _ =	vpop (xrf0)  }
0x70: {  	(v2sf) =	vpush v13, $0xF;
	_ =	sdelay $0xc  }
0x71: {  	v62 =	vld.idx.msk [tilespmem:v12+s12+$0x0], vm2  }
0x72: {  	v12 =	vld.idx.msk [tilespmem:v12+s13+$0x0], vm2  }
0x73: {  	s31 =	spop (v2sf)  }
0x74: {  	p1 =	sgt.f32 s31, $0.0e+00  }
.Ltmp6:
0x75: {  	_ = 	snop;
	(pc) =	sbr.rel @p1 .LBB2_4-.Ltmp6, $4  }
0x76: {  	_ = 	snop  }
0x77: {  	v14 =	vmin.f32 v5, v62;
	v63 =	vmin.f32 v9, v12  }
0x78: {  	v12 =	vmax.f32 v10, v12;
	v5 =	vsel vm2, v14, v5;
	v13 =	vmax.f32 v6, v62  }
0x79: {  	s16 =	smov.u32 @p0 s21;
	s18 =	smov.u32 s19;
	v9 =	vsel vm2, v63, v9;
	v10 =	vsel vm2, v12, v10;
	v6 =	vsel vm2, v13, v6  }
.Ltmp7:
0x7a: {  	_ = 	snop;
	(pc) =	sbr.rel .LBB2_16-.Ltmp7, $1  }
0x7b: {  	_ =	sdelay $0x3  }
.LBB2_5:
0x7c: {  	s19 =	sxor.u32 $0x80000000, s19  }
0x7d: {  	p0 =	slt.s32 s19, $0x1  }
.Ltmp8:
0x7e: {  	_ = 	snop;
	(pc) =	sbr.rel @p0 .LBB2_6-.Ltmp8, $2  }
0x7f: {  	_ =	sdelay $0x2  }
0x80: {  	v5 =	vimm.f32 $+Inf;
	v6 =	vimm.f32 $-Inf  }
0x81: {  	p2 =	seq.s32 s19, $0x1  }
.Ltmp9:
0x82: {  	_ = 	snop;
	(pc) =	sbr.rel @p2 .LBB2_8-.Ltmp9, $4  }
0x83: {  	_ = 	snop  }
0x84: {  	v9 =	vmov s18;
	s20 =	simm.s32 $0x0  }
0x85: {  	v11 =	vsub.s32 v8, v9;
	v8 =	vmov s20  }
0x86: {  	s21 =	simm.s32 $0x1;
	p0 =	por $0x0, $0x0;
	p1 =	por $0x0, $0x0;
	v14 =	vadd.s32 s20, v11;
	vm5 =	vlt.s32 v8, v7  }
0x87: {  	p2 =	seq.s32 s19, $0x2  }
.Ltmp10:
0x88: {  	_ = 	snop;
	(pc) =	sbr.rel @p2 .LBB2_10-.Ltmp10, $3  }
0x89: {  	v8 =	vadd.s32 s21, v11;
	_ =	sdelay $0x1  }
0x8a: {  	v9 =	vmov s21  }
0x8b: {  	vm1 =	vmmov vm5;
	s20 =	simm.s32 $0x2;
	vm2 =	vmmov vm5;
	v18 =	vld.idx.msk [tilespmem:v14+s12+$0x0], vm5;
	p0 =	por $0x1, $0x1;
	vm4 =	vlt.s32 v9, v7  }
0x8c: {  	_ =	sdelay $0x3  }
0x8d: {  	p2 =	seq.s32 s19, $0x3  }
.Ltmp11:
0x8e: {  	v9 =	vld.idx.msk [tilespmem:v14+s13+$0x0], vm1;
	vm1 =	vmmov vm4;
	(pc) =	sbr.rel @p2 .LBB2_12-.Ltmp11, $4  }
0x8f: {  	vm3 =	vmmov vm2;
	v10 =	vmov s20  }
0x90: {  	v19 =	vadd.s32 s20, v11;
	vm2 =	vmmov vm4;
	v12 =	vimm.f32 $-Inf  }
0x91: {  	v13 =	vimm.f32 $+Inf;
	v15 =	vimm.f32 $-Inf;
	vm5 =	vlt.s32 v10, v7  }
0x92: {  	s20 =	simm.s32 $0x3;
	p1 =	por $0x1, $0x1;
	v10 =	vimm.f32 $+Inf;
	v16 =	vmin.f32 v5, v18;
	v17 =	vmax.f32 v6, v18;
	v18 =	vld.idx.msk [tilespmem:v8+s12+$0x0], vm4  }
.LBB2_13:
0x93: {  	v10 =	vsel vm3, v16, v10;
	v12 =	vsel vm3, v17, v12;
	s21 =	smov.u32 s20;
	s20 =	sadd.s32 $0x1, s20  }
0x94: {  	v14 =	vmin.f32 v13, v9;
	v16 =	vmovc v9;
	v9 =	vld.idx.msk [tilespmem:v8+s13+$0x0], vm1;
	v8 =	vmov v19;
	vm1 =	vmmov vm5;
	p2 =	seq.s32 s19, s20  }
.Ltmp12:
0x95: {  	v19 =	vadd.s32 s21, v11;
	v13 =	vsel vm3, v14, v13;
	v14 =	vmax.f32 v15, v16;
	(pc) =	sbr.rel @!p2 .LBB2_13-.Ltmp12, $3  }
0x96: {  	v15 =	vsel vm3, v14, v15;
	vm3 =	vmmov vm2;
	vm2 =	vmmov vm5;
	_ =	sdelay $0x1  }
0x97: {  	v14 =	vmov s21  }
0x98: {  	v16 =	vmin.f32 v10, v18;
	v17 =	vmax.f32 v12, v18;
	v18 =	vld.idx.msk [tilespmem:v8+s12+$0x0], vm5;
	vm5 =	vlt.s32 v14, v7  }
0x99: {  	v14 =	vmov v8;
	v8 =	vmov v19;
	vm4 =	vmmov vm5  }
.LBB2_15:
0x9a: {  	_ =	sdelay $0x4  }
0x9b: {  	v7 =	vld.idx.msk @p0 [tilespmem:v14+s13+$0x0], vm1;
	vm1 =	vmmov vm4  }
0x9c: {  	v10 =	vsel @p1 vm3, v16, v10;
	v11 =	vmovc @p1 v9;
	v12 =	vsel @p1 vm3, v17, v12;
	v9 =	vmin.f32 @p1 v13, v9  }
0x9d: {  	vm2 =	vmmov @p0 vm2;
	v11 =	vmax.f32 @p1 v15, v11;
	v10 =	vpsel p1, v10, v5  }
0x9e: {  	v9 =	vsel @p1 vm3, v9, v13;
	v12 =	vpsel p1, v12, v6;
	v13 =	vmin.f32 @p0 v10, v18  }
0x9f: {  	v61 =	vld.idx.msk [tilespmem:v8+s12+$0x0], vm4;
	vm2 =	vmmov @p0 vm2;
	v11 =	vsel @p1 vm3, v11, v15;
	v13 =	vpsel p0, v13, v0  }
0xa0: {  	v9 =	vpsel p1, v9, v5;
	v15 =	vmax.f32 @p0 v12, v18;
	v11 =	vpsel p1, v11, v6  }
0xa1: {  	v15 =	vpsel p0, v15, v0;
	v7 =	vpsel p0, v7, v0;
	v10 =	vsel @p0 vm2, v13, v10;
	v8 =	vld.idx.msk [tilespmem:v8+s13+$0x0], vm1  }
0xa2: {  	v12 =	vsel @p0 vm2, v15, v12;
	v10 =	vpsel p0, v10, v5;
	vm1 =	vmmov vm1;
	v13 =	vmovc @p0 v7  }
.Ltmp13:
0xa3: {  	v12 =	vpsel p0, v12, v6;
	v7 =	vmin.f32 @p0 v9, v7;
	v13 =	vmax.f32 @p0 v11, v13;
	(pc) =	sbr.rel .LBB2_16-.Ltmp13, $4  }
0xa4: {  	v62 =	vmax.f32 v12, v61;
	v7 =	vsel @p0 vm2, v7, v9;
	v9 =	vsel @p0 vm2, v13, v11  }
0xa5: {  	v11 =	vmin.f32 v10, v61;
	v7 =	vpsel p0, v7, v5;
	v63 =	vpsel p0, v9, v6  }
0xa6: {  	v5 =	vsel vm1, v11, v10;
	v9 =	vmin.f32 v7, v8;
	v8 =	vmax.f32 v63, v8  }
0xa7: {  	v6 =	vsel vm1, v62, v12;
	v9 =	vsel vm1, v9, v7;
	v10 =	vsel vm1, v8, v63  }
.LBB2_8:
.Ltmp14:
0xa8: {  	(pc) =	sbr.rel .LBB2_15-.Ltmp14, $3  }
0xa9: {  	_ =	sdelay $0x1  }
0xaa: {  	v10 =	vimm.f32 $+Inf;
	v12 =	vimm.f32 $-Inf  }
0xab: {  	v13 =	vimm.f32 $+Inf;
	v8 =	vmovc v14;
	vm4 =	vmmov vm5;
	v15 =	vimm.f32 $-Inf  }
.LBB2_10:
.Ltmp15:
0xac: {  	(pc) =	sbr.rel .LBB2_15-.Ltmp15, $3  }
0xad: {  	_ =	sdelay $0x1  }
0xae: {  	v10 =	vimm.f32 $+Inf  }
0xaf: {  	v12 =	vimm.f32 $-Inf;
	v13 =	vimm.f32 $+Inf;
	v15 =	vimm.f32 $-Inf  }
.LBB2_12:
.Ltmp16:
0xb0: {  	(pc) =	sbr.rel .LBB2_15-.Ltmp16, $3  }
0xb1: {  	_ =	sdelay $0x1  }
0xb2: {  	v10 =	vimm.f32 $+Inf;
	v12 =	vimm.f32 $-Inf  }
0xb3: {  	v14 =	vmovc v8;
	v13 =	vimm.f32 $+Inf;
	v8 =	vmovc v19;
	vm4 =	vmmov vm5;
	v15 =	vimm.f32 $-Inf  }
.LBB2_18:
0xb4: {  	_ =	sfence.sel $0x180000  }
0xb5: {  	[bflag:$0x0] =	sbarrier.arrive $0xFFFF  }
0xb6: {  	p0 =	sne.s32 s1, $0x0;
	_ =	strace $0x90000047  }
0xb7: {  	s0 =	sadd.s32 @!p0 $0x100000, s0;
	[bflag:$0x2] =	sbarrier.arrive $0xFFFF  }
0xb8: {  	[sflag:s0] =	ssyncadd.tile.s32 @!p0 $0x1;
	_ =	shalt  }
.Lfunc_end2:
_tile_overlayer_lowered:
.L_overlay_start_2:
0xb9: {  	(tag) =	ssettag $0x2  }
0xba: {  	s0 =	rddreg [dreg:$0x0];
	s2 =	stileid.u32  }
0xbb: {  	s1 =	rddreg [dreg:$0x1];
	p0 =	sne.s32 s2, $0x0  }
0xbc: {  	s3 =	rddreg [dreg:$0x2];
	[bflag:$0x3] =	sbarrier.arrive $0xFFFF;
	s2 =	simm.s32 @!p0 $0x1C02  }
0xbd: {  	[timem:s3], [sflag:s2] =	dma.local @!p0 [hbm:s0], s1  }
0xbe: {  	s0 =	simm.s32 @!p0 $0x2  }
0xbf: {  	_ =	swait.ge @!p0 [sflag:s0], s1  }
0xc0: {  	s1 =	ssub.s32 @!p0 $0x0, s1;
	[sflag:s0] =	ssyncset.done @!p0 $0x0  }
0xc1: {  	[sflag:s0] =	ssyncadd.s32 @!p0 s1  }
0xc2: {  	[bflag:$0x3] =	sbarrier.arrive $0xFFFF  }
0xc3: {  	_ =	shalt  }

</sc_bundles>
